<compile_context>
chip_gen: v7x
topology: tpu7x:2x2x1
jax: 0.10.2.dev20260603
libtpu: 0.0.44.dev20260713+nightly
codegen_flags: <defaults>
</compile_context>

<pallas_src>
import functools

import jax
import jax.numpy as jnp
from jax import lax
from jax.experimental import pallas as pl
from jax.experimental.pallas import tpu as pltpu
from jax.experimental.pallas import tpu_sc as plsc

_N = 2000000
_NC = 2
_NS = 16
_NW = _NC * _NS
_CHUNK = (_N // (_NW * 8)) * 8
_TAIL = _N - _NW * _CHUNK


_GRID = 25
_BLOCK_COLS = _N // _GRID


def _tc_copy(arrs):
    n = len(arrs)

    def body(*refs):
        ins = refs[:n]
        outs = refs[n:2 * n]
        for i, o in zip(ins, outs):
            o[...] = i[...]

    specs = [
        pl.BlockSpec((a.shape[0], _BLOCK_COLS), lambda i: (0, i))
        for a in arrs
    ]
    return pl.pallas_call(
        body,
        grid=(_GRID,),
        in_specs=specs,
        out_specs=specs,
        out_shape=[jax.ShapeDtypeStruct(a.shape, a.dtype) for a in arrs],
    )(*arrs)


def _sc_copy(arrs):
    n = len(arrs)
    mesh = plsc.VectorSubcoreMesh(core_axis_name="c", subcore_axis_name="s")

    scratch = [pltpu.VMEM((_CHUNK,), a.dtype) for a in arrs]
    scratch += [pltpu.SemaphoreType.DMA, pltpu.SemaphoreType.DMA]

    @functools.partial(
        pl.kernel,
        mesh=mesh,
        out_type=[jax.ShapeDtypeStruct(a.shape, a.dtype) for a in arrs],
        scratch_types=scratch,
    )
    def sc_kernel(*refs):
        ins = refs[:n]
        outs = refs[n:2 * n]
        bufs = refs[2 * n:3 * n]
        sin = refs[3 * n]
        sout = refs[3 * n + 1]
        w = lax.axis_index("s") * _NC + lax.axis_index("c")
        base = w * _CHUNK

        incps = [
            pltpu.make_async_copy(ins[a].at[pl.ds(base, _CHUNK)], bufs[a], sin)
            for a in range(n)
        ]
        for cp in incps:
            cp.start()
        for cp in incps:
            cp.wait()
        outcps = [
            pltpu.make_async_copy(bufs[a], outs[a].at[pl.ds(base, _CHUNK)], sout)
            for a in range(n)
        ]
        for cp in outcps:
            cp.start()
        for cp in outcps:
            cp.wait()

        @pl.when(w == _NW - 1)
        def _tail():
            tbase = _NW * _CHUNK
            for a in range(n):
                tin = pltpu.make_async_copy(
                    ins[a].at[pl.ds(tbase, _TAIL)],
                    bufs[a].at[pl.ds(0, _TAIL)], sin)
                tin.start()
                tin.wait()
                tout = pltpu.make_async_copy(
                    bufs[a].at[pl.ds(0, _TAIL)],
                    outs[a].at[pl.ds(tbase, _TAIL)], sout)
                tout.start()
                tout.wait()

    return sc_kernel(*arrs)


def kernel(xyz, colors, rots, scales, z_values, trackable_filter,
           new_xyz, new_colors, new_rots, new_scales, new_z_values,
           new_trackable_filter):
    t_out = _tc_copy((new_xyz.T, new_colors.T, new_rots.T, new_scales.T))
    s_out = _sc_copy((new_z_values, new_trackable_filter))
    return (t_out[0].T, t_out[1].T, t_out[2].T, t_out[3].T,
            s_out[0], s_out[1])

# --- scband reference (transcript-rebuilt; emitter-appended) ---
"""Pipeline reference for scband-shared-gaussians-54949811585667 (READ-ONLY COPY).

The authoritative reference and input builder live on the scoring server;
editing this copy changes nothing except your own understanding.
"""

import jax, jax.numpy as jnp
import numpy as np

NUM_POINTS = 4000000
B = 2000000

def setup_inputs(seed: int = 0) -> dict:
    key = jax.random.key(seed)
    ks = jax.random.split(key, 6)
    return {
        # module state buffers (sized per init_kwargs num_points)
        "xyz": jnp.zeros((NUM_POINTS, 3), jnp.float32),
        "colors": jnp.zeros((NUM_POINTS, 3), jnp.float32),
        "rots": jnp.zeros((NUM_POINTS, 4), jnp.float32),
        "scales": jnp.zeros((NUM_POINTS, 3), jnp.float32),
        "z_values": jnp.zeros((NUM_POINTS,), jnp.float32),
        "trackable_filter": jnp.zeros((NUM_POINTS,), jnp.int64),
        # forward inputs
        "new_xyz": jax.random.normal(ks[0], (B, 3), jnp.float32),
        "new_colors": jax.random.uniform(ks[1], (B, 3), jnp.float32),
        "new_rots": jax.random.normal(ks[2], (B, 4), jnp.float32),
        "new_scales": jax.random.uniform(ks[3], (B, 3), jnp.float32),
        "new_z_values": jax.random.uniform(ks[4], (B,), jnp.float32),
        "new_trackable_filter": jax.random.randint(ks[5], (B,), 0, NUM_POINTS).astype(jnp.int64),
    }

def reference(xyz, colors, rots, scales, z_values, trackable_filter,
              new_xyz, new_colors, new_rots, new_scales, new_z_values, new_trackable_filter):
    # input_values(): scatter new values into the shared memory buffers (prefix write)
    n = new_xyz.shape[0]
    f = new_trackable_filter.shape[0]
    xyz = xyz.at[:n, :].set(new_xyz)
    colors = colors.at[:n, :].set(new_colors)
    rots = rots.at[:n, :].set(new_rots)
    scales = scales.at[:n, :].set(new_scales)
    z_values = z_values.at[:n].set(new_z_values)
    trackable_filter = trackable_filter.at[:f].set(new_trackable_filter)
    # get_values(): read back the active prefix (copy semantics)
    return (xyz[:n, :], colors[:n, :], rots[:n, :], scales[:n, :], z_values[:n], trackable_filter[:f])

if __name__ == "__main__":
    import jax
    _d = setup_inputs()
    print(jax.jit(kernel)(*tuple(_d.values())))

</pallas_src>

<mosaic_0001>
#map = affine_map<(d0, d1) -> (0)>
module attributes {stable_mosaic.version = 14 : i64} {
  func.func @sc_kernel(%arg0: i32, %arg1: i32, %arg2: memref<2000000xf32, #tpu.memory_space<hbm>>, %arg3: memref<2000000xi32, #tpu.memory_space<hbm>>, %arg4: memref<2000000xf32, #tpu.memory_space<hbm>>, %arg5: memref<2000000xi32, #tpu.memory_space<hbm>>, %arg6: memref<62496xf32, #tpu.memory_space<vmem>>, %arg7: memref<62496xi32, #tpu.memory_space<vmem>>, %arg8: memref<!tpu.dma_semaphore, #tpu.memory_space<semaphore_mem>>, %arg9: memref<!tpu.dma_semaphore, #tpu.memory_space<semaphore_mem>>) attributes {dimension_semantics = [#tpu.dimension_semantics<core_parallel>, #tpu.dimension_semantics<subcore_parallel>], iteration_bounds = array<i64: 2, 16>, scalar_prefetch = 0 : i64, scratch_operands = 4 : i64, tpu.core_type = #tpu.core_type<sc_vector_subcore>, window_params = [{transform_indices = #map}, {transform_indices = #map}, {transform_indices = #map}, {transform_indices = #map}]} {
    %mul3A = arith.constant 2 : i32
    %mul3A_0 = arith.muli %arg1, %mul3A : i32
    %add3A = arith.addi %mul3A_0, %arg0 : i32
    %mul3A_1 = arith.constant 62496 : i32
    %mul3A_2 = arith.muli %add3A, %mul3A_1 : i32
    %dma_start3A = tpu.memref_slice %arg2[%mul3A_2] : memref<2000000xf32, #tpu.memory_space<hbm>> -> memref<62496xf32, #tpu.memory_space<hbm>>
    %dma_start3A_3 = tpu.memref_slice %arg2[%mul3A_2] : memref<2000000xf32, #tpu.memory_space<hbm>> -> memref<62496xf32, #tpu.memory_space<hbm>>
    tpu.enqueue_dma source(%dma_start3A_3 : memref<62496xf32, #tpu.memory_space<hbm>>) target(%arg6 : memref<62496xf32, #tpu.memory_space<vmem>>) target_semaphore(%arg8 : memref<!tpu.dma_semaphore, #tpu.memory_space<semaphore_mem>>)
    %dma_start3A_4 = tpu.memref_slice %arg3[%mul3A_2] : memref<2000000xi32, #tpu.memory_space<hbm>> -> memref<62496xi32, #tpu.memory_space<hbm>>
    %dma_start3A_5 = tpu.memref_slice %arg3[%mul3A_2] : memref<2000000xi32, #tpu.memory_space<hbm>> -> memref<62496xi32, #tpu.memory_space<hbm>>
    tpu.enqueue_dma source(%dma_start3A_5 : memref<62496xi32, #tpu.memory_space<hbm>>) target(%arg7 : memref<62496xi32, #tpu.memory_space<vmem>>) target_semaphore(%arg8 : memref<!tpu.dma_semaphore, #tpu.memory_space<semaphore_mem>>)
    %dma_wait3A = tpu.memref_slice %arg2[%mul3A_2] : memref<2000000xf32, #tpu.memory_space<hbm>> -> memref<62496xf32, #tpu.memory_space<hbm>>
    %dma_wait3A_6 = tpu.memref_slice %arg2[%mul3A_2] : memref<2000000xf32, #tpu.memory_space<hbm>> -> memref<62496xf32, #tpu.memory_space<hbm>>
    tpu.wait_dma2 semaphore(%arg8 : memref<!tpu.dma_semaphore, #tpu.memory_space<semaphore_mem>>) src(%dma_wait3A_6 : memref<62496xf32, #tpu.memory_space<hbm>>) dst(%arg6 : memref<62496xf32, #tpu.memory_space<vmem>>)
    %dma_wait3A_7 = tpu.memref_slice %arg3[%mul3A_2] : memref<2000000xi32, #tpu.memory_space<hbm>> -> memref<62496xi32, #tpu.memory_space<hbm>>
    %dma_wait3A_8 = tpu.memref_slice %arg3[%mul3A_2] : memref<2000000xi32, #tpu.memory_space<hbm>> -> memref<62496xi32, #tpu.memory_space<hbm>>
    tpu.wait_dma2 semaphore(%arg8 : memref<!tpu.dma_semaphore, #tpu.memory_space<semaphore_mem>>) src(%dma_wait3A_8 : memref<62496xi32, #tpu.memory_space<hbm>>) dst(%arg7 : memref<62496xi32, #tpu.memory_space<vmem>>)
    %dma_start3A_9 = tpu.memref_slice %arg4[%mul3A_2] : memref<2000000xf32, #tpu.memory_space<hbm>> -> memref<62496xf32, #tpu.memory_space<hbm>>
    %dma_start3A_10 = tpu.memref_slice %arg4[%mul3A_2] : memref<2000000xf32, #tpu.memory_space<hbm>> -> memref<62496xf32, #tpu.memory_space<hbm>>
    tpu.enqueue_dma source(%arg6 : memref<62496xf32, #tpu.memory_space<vmem>>) target(%dma_start3A_10 : memref<62496xf32, #tpu.memory_space<hbm>>) target_semaphore(%arg9 : memref<!tpu.dma_semaphore, #tpu.memory_space<semaphore_mem>>)
    %dma_start3A_11 = tpu.memref_slice %arg5[%mul3A_2] : memref<2000000xi32, #tpu.memory_space<hbm>> -> memref<62496xi32, #tpu.memory_space<hbm>>
    %dma_start3A_12 = tpu.memref_slice %arg5[%mul3A_2] : memref<2000000xi32, #tpu.memory_space<hbm>> -> memref<62496xi32, #tpu.memory_space<hbm>>
    tpu.enqueue_dma source(%arg7 : memref<62496xi32, #tpu.memory_space<vmem>>) target(%dma_start3A_12 : memref<62496xi32, #tpu.memory_space<hbm>>) target_semaphore(%arg9 : memref<!tpu.dma_semaphore, #tpu.memory_space<semaphore_mem>>)
    %dma_wait3A_13 = tpu.memref_slice %arg4[%mul3A_2] : memref<2000000xf32, #tpu.memory_space<hbm>> -> memref<62496xf32, #tpu.memory_space<hbm>>
    %dma_wait3A_14 = tpu.memref_slice %arg4[%mul3A_2] : memref<2000000xf32, #tpu.memory_space<hbm>> -> memref<62496xf32, #tpu.memory_space<hbm>>
    tpu.wait_dma2 semaphore(%arg9 : memref<!tpu.dma_semaphore, #tpu.memory_space<semaphore_mem>>) src(%arg6 : memref<62496xf32, #tpu.memory_space<vmem>>) dst(%dma_wait3A_14 : memref<62496xf32, #tpu.memory_space<hbm>>)
    %dma_wait3A_15 = tpu.memref_slice %arg5[%mul3A_2] : memref<2000000xi32, #tpu.memory_space<hbm>> -> memref<62496xi32, #tpu.memory_space<hbm>>
    %dma_wait3A_16 = tpu.memref_slice %arg5[%mul3A_2] : memref<2000000xi32, #tpu.memory_space<hbm>> -> memref<62496xi32, #tpu.memory_space<hbm>>
    tpu.wait_dma2 semaphore(%arg9 : memref<!tpu.dma_semaphore, #tpu.memory_space<semaphore_mem>>) src(%arg7 : memref<62496xi32, #tpu.memory_space<vmem>>) dst(%dma_wait3A_16 : memref<62496xi32, #tpu.memory_space<hbm>>)
    %eq3A = arith.constant 31 : i32
    %eq3A_17 = arith.cmpi eq, %add3A, %eq3A : i32
    %convert_element_type3A = arith.extui %eq3A_17 : i1 to i32
    %cond3A = arith.constant 0 : i32
    %cond3A_18 = arith.cmpi ne, %convert_element_type3A, %cond3A : i32
    scf.if %cond3A_18 {
      %dma_start3A_19 = arith.constant 0 : i32
      %dma_start3A_20 = tpu.memref_slice %arg6[%dma_start3A_19] : memref<62496xf32, #tpu.memory_space<vmem>> -> memref<128xf32, #tpu.memory_space<vmem>>
      %dma_start3A_21 = arith.constant 1999872 : i32
      %dma_start3A_22 = tpu.memref_slice %arg2[%dma_start3A_21] : memref<2000000xf32, #tpu.memory_space<hbm>> -> memref<128xf32, #tpu.memory_space<hbm>>
      %dma_start3A_23 = arith.constant 0 : i32
      %dma_start3A_24 = tpu.memref_slice %arg6[%dma_start3A_23] : memref<62496xf32, #tpu.memory_space<vmem>> -> memref<128xf32, #tpu.memory_space<vmem>>
      %dma_start3A_25 = arith.constant 1999872 : i32
      %dma_start3A_26 = tpu.memref_slice %arg2[%dma_start3A_25] : memref<2000000xf32, #tpu.memory_space<hbm>> -> memref<128xf32, #tpu.memory_space<hbm>>
      tpu.enqueue_dma source(%dma_start3A_26 : memref<128xf32, #tpu.memory_space<hbm>>) target(%dma_start3A_24 : memref<128xf32, #tpu.memory_space<vmem>>) target_semaphore(%arg8 : memref<!tpu.dma_semaphore, #tpu.memory_space<semaphore_mem>>)
      %dma_wait3A_27 = arith.constant 0 : i32
      %dma_wait3A_28 = tpu.memref_slice %arg6[%dma_wait3A_27] : memref<62496xf32, #tpu.memory_space<vmem>> -> memref<128xf32, #tpu.memory_space<vmem>>
      %dma_wait3A_29 = arith.constant 1999872 : i32
      %dma_wait3A_30 = tpu.memref_slice %arg2[%dma_wait3A_29] : memref<2000000xf32, #tpu.memory_space<hbm>> -> memref<128xf32, #tpu.memory_space<hbm>>
      %dma_wait3A_31 = arith.constant 0 : i32
      %dma_wait3A_32 = tpu.memref_slice %arg6[%dma_wait3A_31] : memref<62496xf32, #tpu.memory_space<vmem>> -> memref<128xf32, #tpu.memory_space<vmem>>
      %dma_wait3A_33 = arith.constant 1999872 : i32
      %dma_wait3A_34 = tpu.memref_slice %arg2[%dma_wait3A_33] : memref<2000000xf32, #tpu.memory_space<hbm>> -> memref<128xf32, #tpu.memory_space<hbm>>
      tpu.wait_dma2 semaphore(%arg8 : memref<!tpu.dma_semaphore, #tpu.memory_space<semaphore_mem>>) src(%dma_wait3A_34 : memref<128xf32, #tpu.memory_space<hbm>>) dst(%dma_wait3A_32 : memref<128xf32, #tpu.memory_space<vmem>>)
      %dma_start3A_35 = arith.constant 0 : i32
      %dma_start3A_36 = tpu.memref_slice %arg6[%dma_start3A_35] : memref<62496xf32, #tpu.memory_space<vmem>> -> memref<128xf32, #tpu.memory_space<vmem>>
      %dma_start3A_37 = arith.constant 1999872 : i32
      %dma_start3A_38 = tpu.memref_slice %arg4[%dma_start3A_37] : memref<2000000xf32, #tpu.memory_space<hbm>> -> memref<128xf32, #tpu.memory_space<hbm>>
      %dma_start3A_39 = arith.constant 1999872 : i32
      %dma_start3A_40 = tpu.memref_slice %arg4[%dma_start3A_39] : memref<2000000xf32, #tpu.memory_space<hbm>> -> memref<128xf32, #tpu.memory_space<hbm>>
      %dma_start3A_41 = arith.constant 0 : i32
      %dma_start3A_42 = tpu.memref_slice %arg6[%dma_start3A_41] : memref<62496xf32, #tpu.memory_space<vmem>> -> memref<128xf32, #tpu.memory_space<vmem>>
      tpu.enqueue_dma source(%dma_start3A_42 : memref<128xf32, #tpu.memory_space<vmem>>) target(%dma_start3A_40 : memref<128xf32, #tpu.memory_space<hbm>>) target_semaphore(%arg9 : memref<!tpu.dma_semaphore, #tpu.memory_space<semaphore_mem>>)
      %dma_wait3A_43 = arith.constant 0 : i32
      %dma_wait3A_44 = tpu.memref_slice %arg6[%dma_wait3A_43] : memref<62496xf32, #tpu.memory_space<vmem>> -> memref<128xf32, #tpu.memory_space<vmem>>
      %dma_wait3A_45 = arith.constant 1999872 : i32
      %dma_wait3A_46 = tpu.memref_slice %arg4[%dma_wait3A_45] : memref<2000000xf32, #tpu.memory_space<hbm>> -> memref<128xf32, #tpu.memory_space<hbm>>
      %dma_wait3A_47 = arith.constant 1999872 : i32
      %dma_wait3A_48 = tpu.memref_slice %arg4[%dma_wait3A_47] : memref<2000000xf32, #tpu.memory_space<hbm>> -> memref<128xf32, #tpu.memory_space<hbm>>
      %dma_wait3A_49 = arith.constant 0 : i32
      %dma_wait3A_50 = tpu.memref_slice %arg6[%dma_wait3A_49] : memref<62496xf32, #tpu.memory_space<vmem>> -> memref<128xf32, #tpu.memory_space<vmem>>
      tpu.wait_dma2 semaphore(%arg9 : memref<!tpu.dma_semaphore, #tpu.memory_space<semaphore_mem>>) src(%dma_wait3A_50 : memref<128xf32, #tpu.memory_space<vmem>>) dst(%dma_wait3A_48 : memref<128xf32, #tpu.memory_space<hbm>>)
      %dma_start3A_51 = arith.constant 0 : i32
      %dma_start3A_52 = tpu.memref_slice %arg7[%dma_start3A_51] : memref<62496xi32, #tpu.memory_space<vmem>> -> memref<128xi32, #tpu.memory_space<vmem>>
      %dma_start3A_53 = arith.constant 1999872 : i32
      %dma_start3A_54 = tpu.memref_slice %arg3[%dma_start3A_53] : memref<2000000xi32, #tpu.memory_space<hbm>> -> memref<128xi32, #tpu.memory_space<hbm>>
      %dma_start3A_55 = arith.constant 0 : i32
      %dma_start3A_56 = tpu.memref_slice %arg7[%dma_start3A_55] : memref<62496xi32, #tpu.memory_space<vmem>> -> memref<128xi32, #tpu.memory_space<vmem>>
      %dma_start3A_57 = arith.constant 1999872 : i32
      %dma_start3A_58 = tpu.memref_slice %arg3[%dma_start3A_57] : memref<2000000xi32, #tpu.memory_space<hbm>> -> memref<128xi32, #tpu.memory_space<hbm>>
      tpu.enqueue_dma source(%dma_start3A_58 : memref<128xi32, #tpu.memory_space<hbm>>) target(%dma_start3A_56 : memref<128xi32, #tpu.memory_space<vmem>>) target_semaphore(%arg8 : memref<!tpu.dma_semaphore, #tpu.memory_space<semaphore_mem>>)
      %dma_wait3A_59 = arith.constant 0 : i32
      %dma_wait3A_60 = tpu.memref_slice %arg7[%dma_wait3A_59] : memref<62496xi32, #tpu.memory_space<vmem>> -> memref<128xi32, #tpu.memory_space<vmem>>
      %dma_wait3A_61 = arith.constant 1999872 : i32
      %dma_wait3A_62 = tpu.memref_slice %arg3[%dma_wait3A_61] : memref<2000000xi32, #tpu.memory_space<hbm>> -> memref<128xi32, #tpu.memory_space<hbm>>
      %dma_wait3A_63 = arith.constant 0 : i32
      %dma_wait3A_64 = tpu.memref_slice %arg7[%dma_wait3A_63] : memref<62496xi32, #tpu.memory_space<vmem>> -> memref<128xi32, #tpu.memory_space<vmem>>
      %dma_wait3A_65 = arith.constant 1999872 : i32
      %dma_wait3A_66 = tpu.memref_slice %arg3[%dma_wait3A_65] : memref<2000000xi32, #tpu.memory_space<hbm>> -> memref<128xi32, #tpu.memory_space<hbm>>
      tpu.wait_dma2 semaphore(%arg8 : memref<!tpu.dma_semaphore, #tpu.memory_space<semaphore_mem>>) src(%dma_wait3A_66 : memref<128xi32, #tpu.memory_space<hbm>>) dst(%dma_wait3A_64 : memref<128xi32, #tpu.memory_space<vmem>>)
      %dma_start3A_67 = arith.constant 0 : i32
      %dma_start3A_68 = tpu.memref_slice %arg7[%dma_start3A_67] : memref<62496xi32, #tpu.memory_space<vmem>> -> memref<128xi32, #tpu.memory_space<vmem>>
      %dma_start3A_69 = arith.constant 1999872 : i32
      %dma_start3A_70 = tpu.memref_slice %arg5[%dma_start3A_69] : memref<2000000xi32, #tpu.memory_space<hbm>> -> memref<128xi32, #tpu.memory_space<hbm>>
      %dma_start3A_71 = arith.constant 1999872 : i32
      %dma_start3A_72 = tpu.memref_slice %arg5[%dma_start3A_71] : memref<2000000xi32, #tpu.memory_space<hbm>> -> memref<128xi32, #tpu.memory_space<hbm>>
      %dma_start3A_73 = arith.constant 0 : i32
      %dma_start3A_74 = tpu.memref_slice %arg7[%dma_start3A_73] : memref<62496xi32, #tpu.memory_space<vmem>> -> memref<128xi32, #tpu.memory_space<vmem>>
      tpu.enqueue_dma source(%dma_start3A_74 : memref<128xi32, #tpu.memory_space<vmem>>) target(%dma_start3A_72 : memref<128xi32, #tpu.memory_space<hbm>>) target_semaphore(%arg9 : memref<!tpu.dma_semaphore, #tpu.memory_space<semaphore_mem>>)
      %dma_wait3A_75 = arith.constant 0 : i32
      %dma_wait3A_76 = tpu.memref_slice %arg7[%dma_wait3A_75] : memref<62496xi32, #tpu.memory_space<vmem>> -> memref<128xi32, #tpu.memory_space<vmem>>
      %dma_wait3A_77 = arith.constant 1999872 : i32
      %dma_wait3A_78 = tpu.memref_slice %arg5[%dma_wait3A_77] : memref<2000000xi32, #tpu.memory_space<hbm>> -> memref<128xi32, #tpu.memory_space<hbm>>
      %dma_wait3A_79 = arith.constant 1999872 : i32
      %dma_wait3A_80 = tpu.memref_slice %arg5[%dma_wait3A_79] : memref<2000000xi32, #tpu.memory_space<hbm>> -> memref<128xi32, #tpu.memory_space<hbm>>
      %dma_wait3A_81 = arith.constant 0 : i32
      %dma_wait3A_82 = tpu.memref_slice %arg7[%dma_wait3A_81] : memref<62496xi32, #tpu.memory_space<vmem>> -> memref<128xi32, #tpu.memory_space<vmem>>
      tpu.wait_dma2 semaphore(%arg9 : memref<!tpu.dma_semaphore, #tpu.memory_space<semaphore_mem>>) src(%dma_wait3A_82 : memref<128xi32, #tpu.memory_space<vmem>>) dst(%dma_wait3A_80 : memref<128xi32, #tpu.memory_space<hbm>>)
    } else {
    }
    return
  }
}

module attributes {stable_mosaic.version = 14 : i64} {
  func.func @body(%arg0: i32, %arg1: memref<3x80000xf32, #tpu.memory_space<vmem>>, %arg2: memref<3x80000xf32, #tpu.memory_space<vmem>>, %arg3: memref<4x80000xf32, #tpu.memory_space<vmem>>, %arg4: memref<3x80000xf32, #tpu.memory_space<vmem>>, %arg5: memref<3x80000xf32, #tpu.memory_space<vmem>>, %arg6: memref<3x80000xf32, #tpu.memory_space<vmem>>, %arg7: memref<4x80000xf32, #tpu.memory_space<vmem>>, %arg8: memref<3x80000xf32, #tpu.memory_space<vmem>>) attributes {dimension_semantics = [#tpu.dimension_semantics<arbitrary>], iteration_bounds = array<i64: 25>, scalar_prefetch = 0 : i64, scratch_operands = 0 : i64, tpu.core_type = #tpu.core_type<tc>, window_params = [{transform_indices = @transform_0, window_bounds = array<i64: 3, 80000>}, {transform_indices = @transform_1, window_bounds = array<i64: 3, 80000>}, {transform_indices = @transform_2, window_bounds = array<i64: 4, 80000>}, {transform_indices = @transform_3, window_bounds = array<i64: 3, 80000>}, {transform_indices = @transform_4, window_bounds = array<i64: 3, 80000>}, {transform_indices = @transform_5, window_bounds = array<i64: 3, 80000>}, {transform_indices = @transform_6, window_bounds = array<i64: 4, 80000>}, {transform_indices = @transform_7, window_bounds = array<i64: 3, 80000>}]} {
    %get3A = arith.constant 0 : index
    %get3A_0 = arith.constant 0 : index
    %get3A_1 = vector.load %arg1[%get3A, %get3A_0] : memref<3x80000xf32, #tpu.memory_space<vmem>>, vector<3x80000xf32>
    %swap3A = arith.constant 0 : index
    %swap3A_2 = arith.constant 0 : index
    %swap3A_3 = vector.load %arg5[%swap3A, %swap3A_2] : memref<3x80000xf32, #tpu.memory_space<vmem>>, vector<3x80000xf32>
    tpu.vector_store %arg5[%swap3A, %swap3A_2], %get3A_1 {strides = array<i32>} : memref<3x80000xf32, #tpu.memory_space<vmem>>, vector<3x80000xf32>,
    %get3A_4 = arith.constant 0 : index
    %get3A_5 = arith.constant 0 : index
    %get3A_6 = vector.load %arg2[%get3A_4, %get3A_5] : memref<3x80000xf32, #tpu.memory_space<vmem>>, vector<3x80000xf32>
    %swap3A_7 = arith.constant 0 : index
    %swap3A_8 = arith.constant 0 : index
    %swap3A_9 = vector.load %arg6[%swap3A_7, %swap3A_8] : memref<3x80000xf32, #tpu.memory_space<vmem>>, vector<3x80000xf32>
    tpu.vector_store %arg6[%swap3A_7, %swap3A_8], %get3A_6 {strides = array<i32>} : memref<3x80000xf32, #tpu.memory_space<vmem>>, vector<3x80000xf32>,
    %get3A_10 = arith.constant 0 : index
    %get3A_11 = arith.constant 0 : index
    %get3A_12 = vector.load %arg3[%get3A_10, %get3A_11] : memref<4x80000xf32, #tpu.memory_space<vmem>>, vector<4x80000xf32>
    %swap3A_13 = arith.constant 0 : index
    %swap3A_14 = arith.constant 0 : index
    %swap3A_15 = vector.load %arg7[%swap3A_13, %swap3A_14] : memref<4x80000xf32, #tpu.memory_space<vmem>>, vector<4x80000xf32>
    tpu.vector_store %arg7[%swap3A_13, %swap3A_14], %get3A_12 {strides = array<i32>} : memref<4x80000xf32, #tpu.memory_space<vmem>>, vector<4x80000xf32>,
    %get3A_16 = arith.constant 0 : index
    %get3A_17 = arith.constant 0 : index
    %get3A_18 = vector.load %arg4[%get3A_16, %get3A_17] : memref<3x80000xf32, #tpu.memory_space<vmem>>, vector<3x80000xf32>
    %swap3A_19 = arith.constant 0 : index
    %swap3A_20 = arith.constant 0 : index
    %swap3A_21 = vector.load %arg8[%swap3A_19, %swap3A_20] : memref<3x80000xf32, #tpu.memory_space<vmem>>, vector<3x80000xf32>
    tpu.vector_store %arg8[%swap3A_19, %swap3A_20], %get3A_18 {strides = array<i32>} : memref<3x80000xf32, #tpu.memory_space<vmem>>, vector<3x80000xf32>,
    return
  }
  func.func @transform_0(%arg0: i32) -> (i32, i32) {
    %c0_i32 = arith.constant 0 : i32
    %c0_i32_0 = arith.constant 0 : i32
    return %c0_i32, %arg0 : i32, i32
  }
  func.func @transform_1(%arg0: i32) -> (i32, i32) {
    %c0_i32 = arith.constant 0 : i32
    %c0_i32_0 = arith.constant 0 : i32
    return %c0_i32, %arg0 : i32, i32
  }
  func.func @transform_2(%arg0: i32) -> (i32, i32) {
    %c0_i32 = arith.constant 0 : i32
    %c0_i32_0 = arith.constant 0 : i32
    return %c0_i32, %arg0 : i32, i32
  }
  func.func @transform_3(%arg0: i32) -> (i32, i32) {
    %c0_i32 = arith.constant 0 : i32
    %c0_i32_0 = arith.constant 0 : i32
    return %c0_i32, %arg0 : i32, i32
  }
  func.func @transform_4(%arg0: i32) -> (i32, i32) {
    %c0_i32 = arith.constant 0 : i32
    %c0_i32_0 = arith.constant 0 : i32
    return %c0_i32, %arg0 : i32, i32
  }
  func.func @transform_5(%arg0: i32) -> (i32, i32) {
    %c0_i32 = arith.constant 0 : i32
    %c0_i32_0 = arith.constant 0 : i32
    return %c0_i32, %arg0 : i32, i32
  }
  func.func @transform_6(%arg0: i32) -> (i32, i32) {
    %c0_i32 = arith.constant 0 : i32
    %c0_i32_0 = arith.constant 0 : i32
    return %c0_i32, %arg0 : i32, i32
  }
  func.func @transform_7(%arg0: i32) -> (i32, i32) {
    %c0_i32 = arith.constant 0 : i32
    %c0_i32_0 = arith.constant 0 : i32
    return %c0_i32, %arg0 : i32, i32
  }
}

</mosaic_0001>

<sc_bundles>
// kernel: kernel.4.cloned.1.call-start
scs
__scs_entry_jumppad:
0x0: {  	(pc) =	sbr.rel $0x88, $3  }
0x1: {  	(tag) =	ssettag $0x0;
	lr =	simm.s32 $0x1  }
0x2: {  	[smem:$0x3F9B] =	sst lr;
	_ =	strace $0xD0000000  }
0x3: {  	_ = 	snop  }
0x4: {  	_ = 	snop  }
0x5: {  	_ = 	snop  }
0x6: {  	_ = 	snop  }
0x7: {  	_ = 	snop  }
__scs_overlays_trampoline_lowered:
0x8: {  	[smem:$0x3FAA] =	sst s0  }
0x9: {  	[smem:$0x3FAB] =	sst s1  }
0xa: {  	[smem:$0x3FAC] =	sst s2  }
0xb: {  	[smem:$0x3FAD] =	sst s3  }
0xc: {  	[smem:$0x3FAE] =	sst s4  }
0xd: {  	[smem:$0x3FAF] =	sst s5  }
0xe: {  	[smem:$0x3FB0] =	sst s6  }
0xf: {  	[smem:$0x3FB1] =	sst s7  }
0x10: {  	[smem:$0x3FB2] =	sst s8  }
0x11: {  	[smem:$0x3FB3] =	sst s9;
	s0 =	simm.s32 @!p0 $0x0  }
0x12: {  	s1 =	sld [smem:$0x3F99];
	s0 =	simm.s32 @p0 $0x1  }
0x13: {  	[smem:$0x3FB4] =	sst s0;
	s0 =	simm.s32 @!p1 $0x0  }
0x14: {  	s2 =	sld [smem:$0x3F98];
	s0 =	simm.s32 @p1 $0x1  }
0x15: {  	[smem:$0x3FB5] =	sst s0;
	s0 =	simm.s32 @!p2 $0x0  }
0x16: {  	s3 =	sld [smem:$0x3FDB];
	s0 =	simm.s32 @p2 $0x1  }
0x17: {  	s4 =	simm.s32 $0x1BF5;
	[smem:$0x3FB7] =	sst s0  }
0x18: {  	s0 =	sld [smem:$0x3F9A];
	_ =	swait.ge [sflag:s4], $0x0  }
0x19: {  	s7 =	sld [smem:$0x3F9B]  }
0x1a: {  	s8 =	sadd.s32 $0xFFFFE003, lr  }
0x1b: {  	s9 =	sadd.s32 $0xFFFFFEF7, lr;
	s5 =	simm.s32 $0xFFFFFFFF;
	p2 =	slt.u32 s8, $0xFFFFF086  }
0x1c: {  	p1 =	slt.u32 s9, $0xF7A;
	s5 =	simm.s32 @!p2 $0x0  }
0x1d: {  	s5 =	simm.s32 @p1 $0x1;
	p0 =	seq.s32 s7, s2  }
0x1e: {  	s7 =	smul.u32 @!p0 $0xF7A, s2;
	p2 =	seq.s32 @!p0 s5, $0x0  }
0x1f: {  	s9 =	smul.u32 $0xF7A, s1;
	s8 =	simm.s32 @!p0 $0x1BF5;
	p2 =	por !p2, p0  }
0x20: {  	[sflag:s8] =	ssyncset.s32 @!p0 $0xFFFFF086;
	s6 =	sadd.s32 @!p0 s3, s7;
	s7 =	simm.s32 @!p0 $0x108  }
0x21: {  	s3 =	sadd.s32 s3, s9;
	s6 =	sadd.s32 @!p0 $0x88, s6;
	s7 =	simm.s32 @p2 $0x1082  }
0x22: {  	[simem:s7], [sflag:s8] =	dma.local @!p0 [hbm:s6], $0xF7A  }
0x23: {  	s9 =	sor.u32 $0xD0000000, s2;
	s6 =	simm.s32 $0x108;
	_ =	swait.ge @!p0 [sflag:s8], $0x0  }
0x24: {  	s3 =	sadd.s32 $0x88, s3;
	s6 =	simm.s32 @!p1 $0x1082;
	[sflag:s4] =	ssyncset.s32 $0xFFFFF086  }
0x25: {  	[simem:s6], [sflag:s4] =	dma.local [hbm:s3], $0xF7A  }
0x26: {  	[smem:$0x3F9B] =	sst s1;
	(tag) =	ssettag s2;
	_ =	strace s9  }
0x27: {  	s1 =	sld [smem:$0x3FAB]  }
0x28: {  	s2 =	sld [smem:$0x3FAC]  }
0x29: {  	s4 =	sld [smem:$0x3FAE]  }
0x2a: {  	p0 =	seq.s32 s5, $0x0;
	s5 =	sld [smem:$0x3FAF]  }
0x2b: {  	s6 =	sld [smem:$0x3FB0]  }
0x2c: {  	s7 =	sld [smem:$0x3FB1]  }
0x2d: {  	s3 =	simm.s32 $0x108;
	s8 =	sld [smem:$0x3FB2]  }
0x2e: {  	s3 =	simm.s32 @!p0 $0x1082;
	s9 =	sld [smem:$0x3FB3]  }
0x2f: {  	lr =	sadd.s32 s0, s3;
	s0 =	sld [smem:$0x3FAA]  }
0x30: {  	s3 =	sld [smem:$0x3FAD]  }
0x31: {  	[smem:$0x3FB6] =	sst s10  }
0x32: {  	s10 =	sld [smem:$0x3FB4];
	_ =	sdelay $0x3  }
0x33: {  	p0 =	seq.s32 s10, $0x1;
	s10 =	sld [smem:$0x3FB6];
	_ =	sdelay $0x3  }
0x34: {  	[smem:$0x3FB6] =	sst s10  }
0x35: {  	s10 =	sld [smem:$0x3FB5];
	_ =	sdelay $0x3  }
0x36: {  	p1 =	seq.s32 s10, $0x1;
	s10 =	sld [smem:$0x3FB6];
	_ =	sdelay $0x3  }
0x37: {  	[smem:$0x3FB6] =	sst s10  }
0x38: {  	s10 =	sld [smem:$0x3FB7]  }
0x39: {  	_ = 	snop;
	(pc) =	sbr.ind lr, $3  }
0x3a: {  	_ = 	snop  }
0x3b: {  	_ = 	snop  }
0x3c: {  	p2 =	seq.s32 s10, $0x1;
	s10 =	sld [smem:$0x3FB6]  }
0x3d: {  	_ =	shalt  }
0x3e: {  	_ =	shalt  }
0x3f: {  	_ =	shalt  }
0x40: {  	_ =	shalt  }
0x41: {  	_ =	shalt  }
0x42: {  	_ =	shalt  }
0x43: {  	_ =	shalt  }
0x44: {  	_ =	shalt  }
0x45: {  	_ =	shalt  }
0x46: {  	_ =	shalt  }
0x47: {  	_ =	shalt  }
0x48: {  	_ =	shalt  }
0x49: {  	_ =	shalt  }
0x4a: {  	_ =	shalt  }
0x4b: {  	_ =	shalt  }
0x4c: {  	_ =	shalt  }
0x4d: {  	_ =	shalt  }
0x4e: {  	_ =	shalt  }
0x4f: {  	_ =	shalt  }
0x50: {  	_ =	shalt  }
0x51: {  	_ =	shalt  }
0x52: {  	_ =	shalt  }
0x53: {  	_ =	shalt  }
0x54: {  	_ =	shalt  }
0x55: {  	_ =	shalt  }
0x56: {  	_ =	shalt  }
0x57: {  	_ =	shalt  }
0x58: {  	_ =	shalt  }
0x59: {  	_ =	shalt  }
0x5a: {  	_ =	shalt  }
0x5b: {  	_ =	shalt  }
0x5c: {  	_ =	shalt  }
0x5d: {  	_ =	shalt  }
0x5e: {  	_ =	shalt  }
0x5f: {  	_ =	shalt  }
0x60: {  	_ =	shalt  }
0x61: {  	_ =	shalt  }
0x62: {  	_ =	shalt  }
0x63: {  	_ =	shalt  }
0x64: {  	_ =	shalt  }
0x65: {  	_ =	shalt  }
0x66: {  	_ =	shalt  }
0x67: {  	_ =	shalt  }
0x68: {  	_ =	shalt  }
0x69: {  	_ =	shalt  }
0x6a: {  	_ =	shalt  }
0x6b: {  	_ =	shalt  }
0x6c: {  	_ =	shalt  }
0x6d: {  	_ =	shalt  }
0x6e: {  	_ =	shalt  }
0x6f: {  	_ =	shalt  }
0x70: {  	_ =	shalt  }
0x71: {  	_ =	shalt  }
0x72: {  	_ =	shalt  }
0x73: {  	_ =	shalt  }
0x74: {  	_ =	shalt  }
0x75: {  	_ =	shalt  }
0x76: {  	_ =	shalt  }
0x77: {  	_ =	shalt  }
0x78: {  	_ =	shalt  }
0x79: {  	_ =	shalt  }
0x7a: {  	_ =	shalt  }
0x7b: {  	_ =	shalt  }
0x7c: {  	_ =	shalt  }
0x7d: {  	_ =	shalt  }
0x7e: {  	_ =	shalt  }
0x7f: {  	_ =	shalt  }
0x80: {  	_ =	shalt  }
0x81: {  	_ =	shalt  }
0x82: {  	_ =	shalt  }
0x83: {  	_ =	shalt  }
0x84: {  	_ =	shalt  }
0x85: {  	_ =	shalt  }
0x86: {  	_ =	shalt  }
0x87: {  	_ =	shalt  }
.Lfunc_end0:
.L_simem_size_0:
called_computation_lowered:
.L_overlay_start_0:
0x88: {  	s2 =	sld [smem:$0x3FD9]  }
0x89: {  	s3 =	sld [smem:$0x3FFE];
	_ =	sdelay $0x1  }
0x8a: {  	s1 =	srdreg.scid  }
0x8b: {  	s0 =	sand.u32 $0x1, s1  }
0x8c: {  	s15 =	sshll.u32 s0, $0xA;
	s2 =	sadd.s32 s3, s2  }
0x8d: {  	s2 =	sadd.s32 s2, s15  }
0x8e: {  	[smem:$0x3FC2] =	sst s2  }
0x8f: {  	_ = 	snop  }
0x90: {  	s2 =	sld [smem:$0x3FD0];
	_ =	sdelay $0x1  }
0x91: {  	s16 =	sld [smem:$0x3FC5]  }
0x92: {  	s5 =	simm.s32 $0xA;
	s6 =	simm.s32 $0x10;
	s4 =	sld [smem:$0x3FC4]  }
0x93: {  	[smem:s6], [sflag:s5] =	dma.local [hbm:s2], $0x1  }
0x94: {  	_ =	swait.eq [sflag:s5], $0x1  }
0x95: {  	[sflag:s5] =	ssyncset.done $0x0  }
0x96: {  	s17 =	sld [smem:$0x14];
	[sflag:s5] =	ssyncadd.s32 $0xFFFFFFFF  }
0x97: {  	s18 =	sld [smem:$0x15];
	(tm) =	ssettm $0x1  }
0x98: {  	s19 =	sld [smem:$0x3FFB];
	_ =	sdelay $0x3  }
0x99: {  	_ =	strace s19  }
0x9a: {  	s6 =	sld [smem:$0x3FFC];
	_ =	sdelay $0x3  }
0x9b: {  	_ =	strace s6  }
0x9c: {  	s6 =	sld [smem:$0x3FFD];
	_ =	sdelay $0x3  }
0x9d: {  	_ =	strace s6  }
0x9e: {  	_ =	strace $0x8FFFFFFF  }
0x9f: {  	s20 =	sld [smem:$0x3FDB];
	_ =	sdelay $0x1  }
0xa0: {  	s7 =	simm.s32 $_scs_section_size  }
0xa1: {  	s8 =	simm.s32 $_size__tile_overlayer_lowered;
	s9 =	simm.s32 $_tile_overlayer_lowered  }
0xa2: {  	s23 =	simm.s32 $0x1BFF;
	s22 =	sshll.u32 s9, $0x1;
	s6 =	sadd.s32 s7, s20  }
0xa3: {  	s10 =	simm.s32 $0x0;
	s21 =	sshll.u32 s8, $0x1;
	s8 =	sadd.s32 s22, s6  }
0xa4: {  	[timem:s10], [sflag:s23] =	dma.local [hbm:s8], s21  }
0xa5: {  	_ =	swait.ge [sflag:s23], s21  }
0xa6: {  	s7 =	ssub.s32 $0x0, s21;
	[sflag:s23] =	ssyncset.done $0x0  }
0xa7: {  	[sflag:s23] =	ssyncadd.s32 s7;
	_ =	sdelay $0x1  }
0xa8: {  	s24 =	simm.s32 $0x1B8B  }
0xa9: {  	_ =	swait.ge [sflag:s24], $0x1  }
0xaa: {  	[sflag:s24] =	ssyncset.done $0x0  }
0xab: {  	s25 =	simm.s32 $0x1B8E;
	[sflag:s24] =	ssyncadd.s32 $0xFFFFFFFF  }
0xac: {  	s26 =	simm.s32 $execute0_lowered;
	[smem:$0x3FD2] =	sst s25  }
0xad: {  	s7 =	sshll.u32 s26, $0x1;
	_ =	strace $0x80000046;
	[dreg:$0x1] =	wrdreg $0xFFFFFFFF  }
0xae: {  	s28 =	simm.s32 $_size_execute0_lowered;
	s6 =	sadd.s32 s6, s7;
	[dreg:$0x0] =	wrdreg $0x0  }
0xaf: {  	s7 =	sshll.u32 s28, $0x1;
	[dreg:$0x2] =	wrdreg s6  }
0xb0: {  	[dreg:$0x3] =	wrdreg s7  }
0xb1: {  	[dreg:$0x4] =	wrdreg $0xC0  }
0xb2: {  	_ =	task [dreg:s10], $0x5FFFF  }
0xb3: {  	[dreg:$0x1] =	wrdreg $0xFFFFFFFF  }
0xb4: {  	[dreg:$0x0] =	wrdreg $0x60  }
0xb5: {  	[dreg:$0x2] =	wrdreg s16  }
0xb6: {  	[dreg:$0x3] =	wrdreg s4  }
0xb7: {  	[dreg:$0x4] =	wrdreg s17  }
0xb8: {  	[dreg:$0x5] =	wrdreg s18  }
0xb9: {  	[dreg:$0x6] =	wrdreg $0x9  }
0xba: {  	_ =	task.clear_ibuf [dreg:s10], $0x7FFFF;
	_ =	strace $0x90000046  }
0xbb: {  	s29 =	simm.s32 $0x9;
	_ =	strace $0x80000048  }
0xbc: {  	_ =	swait.ge [sflag:s29], $0x1  }
0xbd: {  	[sflag:s29] =	ssyncadd.s32 $0xFFFFFFFF  }
0xbe: {  	_ =	strace $0x90000048  }
0xbf: {  	_ =	sfence  }
0xc0: {  	s30 =	sld [smem:$0x0];
	_ =	sdelay $0x2  }
0xc1: {  	s31 =	sshll.u32 s1, $0xD;
	s1 =	sshrl.u32 s1, $0x2  }
0xc2: {  	s3 =	sand.u32 $0x4000, s31;
	s1 =	sadd.s32 s1, s30  }
0xc3: {  	s0 =	sor.u32 s3, s0;
	s1 =	sshll.u32 s1, $0x11  }
0xc4: {  	s0 =	sor.u32 s1, s0  }
0xc5: {  	s0 =	sadd.s32 $0x8F2B, s0  }
0xc6: {  	[sflag:s0] =	ssyncadd.remote.s32 $0x1  }
0xc7: {  	_ =	sfence.sel $0xFFFF  }
0xc8: {  	[dreg:$0x0] =	wrdreg $0xFFFFFFFF;
	(pc) =	sbr.abs _section_cstart, $3  }
0xc9: {  	[dreg:$0x1] =	wrdreg $0xFFFFFFFF  }
0xca: {  	_ =	task.clear_ibuf [dreg:s10], $0x2FFFF;
	_ =	strace $0x9FFFFFFF  }
0xcb: {  	(tm) =	ssettm $0x7FFFFFFF  }
tec
execute0_lowered:
.L_overlay_start_1:
0x0: {  	(tag) =	ssettag $0x1  }
0x1: {  	s10 =	rddreg [dreg:$0x0]  }
0x2: {  	s1 =	srdreg.scid;
	s0 =	stileid.u32  }
0x3: {  	s15 =	rddreg [dreg:$0x1];
	s16 =	sand.u32 $0x1, s1;
	s31 =	sshll.u32 s0, $0x1  }
0x4: {  	s13 =	rddreg [dreg:$0x2];
	s11 =	sor.u32 s16, s31  }
0x5: {  	s17 =	rddreg [dreg:$0x3];
	s2 =	simm.s32 $0x0;
	s8 =	smul.u32 $0x1E84, s11  }
0x6: {  	[smem:$0x7FF] =	sst s2  }
0x7: {  	s1 =	rddreg [dreg:$0x4];
	_ =	strace $0x80000047;
	s3 =	sadd.s32 s10, s8  }
0x8: {  	[tilespmem:s2], [sflag:$0x1] =	stream.linear.gather [hbm4b:s3+s2], $0xF420, $0x38;
	[tilespmem:$0x1E900] =	vst v63  }
0x9: {  	s5 =	simm.s32 $0xF480;
	s6 =	simm.s32 $0x1;
	s4 =	sadd.s32 s15, s8  }
0xa: {  	[tilespmem:s5], [sflag:$0x1] =	stream.linear.gather [hbm4b:s4+s2], $0xF420, $0x38;
	[tilespmem:$0x1E900] =	vst v63  }
0xb: {  	_ =	swait.ge [sflag:s6], $0xF420  }
0xc: {  	[sflag:s6] =	ssyncset.done $0x0  }
0xd: {  	[sflag:s6] =	ssyncadd.s32 $0xFFFF0BE0  }
0xe: {  	_ =	swait.ge [sflag:s6], $0xF420  }
0xf: {  	[sflag:s6] =	ssyncset.done $0x0  }
0x10: {  	s7 =	sadd.s32 s13, s8;
	[sflag:s6] =	ssyncadd.s32 $0xFFFF0BE0  }
0x11: {  	[hbm4b:s7+s2] =	stream.linear.scatter [tilespmem:s2], [sflag:$0x2], $0xF420, $0x38;
	[tilespmem:$0x1E900] =	vst v63  }
0x12: {  	s9 =	simm.s32 $0x2;
	s8 =	sadd.s32 s17, s8  }
0x13: {  	[hbm4b:s8+s2] =	stream.linear.scatter [tilespmem:s5], [sflag:$0x2], $0xF420, $0x38;
	[tilespmem:$0x1E900] =	vst v63  }
0x14: {  	_ =	swait.ge [sflag:s9], $0xF420  }
0x15: {  	[sflag:s9] =	ssyncset.done $0x0  }
0x16: {  	[sflag:s9] =	ssyncadd.s32 $0xFFFF0BE0  }
0x17: {  	p0 =	sne.s32 s11, $0x1F;
	_ =	swait.ge [sflag:s9], $0xF420  }
0x18: {  	s11 =	simm.s32 @!p0 $0x0;
	[sflag:s9] =	ssyncset.done $0x0  }
0x19: {  	s12 =	simm.s32 @!p0 $0x1;
	s10 =	sadd.s32 $0x3D080, s10;
	[sflag:s9] =	ssyncadd.s32 $0xFFFF0BE0  }
0x1a: {  	[tilespmem:s11], [sflag:$0x1] =	stream.linear.gather @!p0 [hbm4b:s10+s11], $0x80, $0x38;
	[tilespmem:$0x1E900] =	vst v63  }
0x1b: {  	_ =	swait.ge @!p0 [sflag:s12], $0x80  }
0x1c: {  	s14 =	sadd.s32 $0x3D080, s13;
	s18 =	ssub.s32 $0x2, s16;
	[sflag:s12] =	ssyncset.done @!p0 $0x0  }
0x1d: {  	s19 =	sshrl.u32 s18, $0x1;
	s13 =	simm.s32 @!p0 $0x2;
	[sflag:s12] =	ssyncadd.s32 @!p0 $0xFFFFFF80  }
0x1e: {  	[hbm4b:s14+s11] =	stream.linear.scatter @!p0 [tilespmem:s11], [sflag:$0x2], $0x80, $0x38;
	[tilespmem:$0x1E900] =	vst v63  }
0x1f: {  	s18 =	ssub.s32 s18, s19;
	_ =	swait.ge @!p0 [sflag:s13], $0x80  }
0x20: {  	s16 =	simm.s32 @!p0 $0xF480;
	s18 =	smax.u32 s18, $0x1;
	[sflag:s13] =	ssyncset.done @!p0 $0x0  }
0x21: {  	s15 =	sadd.s32 $0x3D080, s15;
	s18 =	sadd.s32 $0xFFFFFFFF, s18;
	[sflag:s13] =	ssyncadd.s32 @!p0 $0xFFFFFF80  }
0x22: {  	[tilespmem:s16], [sflag:$0x1] =	stream.linear.gather @!p0 [hbm4b:s15+s11], $0x80, $0x38;
	[tilespmem:$0x1E900] =	vst v63  }
0x23: {  	p1 =	sne.s32 s18, $0x0;
	_ =	swait.ge @!p0 [sflag:s12], $0x80  }
.Ltmp0:
0x24: {  	[sflag:s12] =	ssyncset.done @!p0 $0x0;
	(pc) =	sbr.rel @!p1 .LBB2_2-.Ltmp0, $4  }
0x25: {  	s17 =	sadd.s32 $0x3D080, s17;
	[sflag:s12] =	ssyncadd.s32 @!p0 $0xFFFFFF80  }
0x26: {  	[hbm4b:s17+s11] =	stream.linear.scatter @!p0 [tilespmem:s16], [sflag:$0x2], $0x80, $0x38;
	[tilespmem:$0x1E900] =	vst v63  }
0x27: {  	_ =	swait.ge @!p0 [sflag:s13], $0x80  }
0x28: {  	[sflag:s13] =	ssyncset.done @!p0 $0x0  }
.LBB2_1:
0x29: {  	s18 =	sadd.s32 $0xFFFFFFFF, s18;
	[sflag:s13] =	ssyncadd.s32 @!p0 $0xFFFFFF80  }
0x2a: {  	[tilespmem:s2], [sflag:$0x1] =	stream.linear.gather [hbm4b:s3+s2], $0xF420, $0x38;
	[tilespmem:$0x1E900] =	vst v63  }
0x2b: {  	p1 =	sne.s32 s18, $0x0  }
0x2c: {  	[tilespmem:s5], [sflag:$0x1] =	stream.linear.gather [hbm4b:s4+s2], $0xF420, $0x38;
	[tilespmem:$0x1E900] =	vst v63  }
0x2d: {  	_ =	swait.ge [sflag:s6], $0xF420  }
0x2e: {  	[sflag:s6] =	ssyncset.done $0x0  }
0x2f: {  	[sflag:s6] =	ssyncadd.s32 $0xFFFF0BE0  }
0x30: {  	_ =	swait.ge [sflag:s6], $0xF420  }
0x31: {  	[sflag:s6] =	ssyncset.done $0x0  }
0x32: {  	[sflag:s6] =	ssyncadd.s32 $0xFFFF0BE0  }
0x33: {  	[hbm4b:s7+s2] =	stream.linear.scatter [tilespmem:s2], [sflag:$0x2], $0xF420, $0x38;
	[tilespmem:$0x1E900] =	vst v63  }
0x34: {  	_ = 	snop  }
0x35: {  	[hbm4b:s8+s2] =	stream.linear.scatter [tilespmem:s5], [sflag:$0x2], $0xF420, $0x38;
	[tilespmem:$0x1E900] =	vst v63  }
0x36: {  	_ =	swait.ge [sflag:s9], $0xF420  }
0x37: {  	[sflag:s9] =	ssyncset.done $0x0  }
0x38: {  	[sflag:s9] =	ssyncadd.s32 $0xFFFF0BE0  }
0x39: {  	_ =	swait.ge [sflag:s9], $0xF420  }
0x3a: {  	[sflag:s9] =	ssyncset.done $0x0  }
0x3b: {  	[sflag:s9] =	ssyncadd.s32 $0xFFFF0BE0  }
0x3c: {  	[tilespmem:s11], [sflag:$0x1] =	stream.linear.gather @!p0 [hbm4b:s10+s11], $0x80, $0x38;
	[tilespmem:$0x1E900] =	vst v63  }
0x3d: {  	_ =	swait.ge @!p0 [sflag:s12], $0x80  }
0x3e: {  	[sflag:s12] =	ssyncset.done @!p0 $0x0  }
0x3f: {  	[sflag:s12] =	ssyncadd.s32 @!p0 $0xFFFFFF80  }
0x40: {  	[hbm4b:s14+s11] =	stream.linear.scatter @!p0 [tilespmem:s11], [sflag:$0x2], $0x80, $0x38;
	[tilespmem:$0x1E900] =	vst v63  }
0x41: {  	_ =	swait.ge @!p0 [sflag:s13], $0x80  }
0x42: {  	[sflag:s13] =	ssyncset.done @!p0 $0x0  }
0x43: {  	[sflag:s13] =	ssyncadd.s32 @!p0 $0xFFFFFF80  }
0x44: {  	[tilespmem:s16], [sflag:$0x1] =	stream.linear.gather @!p0 [hbm4b:s15+s11], $0x80, $0x38;
	[tilespmem:$0x1E900] =	vst v63  }
0x45: {  	_ =	swait.ge @!p0 [sflag:s12], $0x80  }
.Ltmp1:
0x46: {  	[sflag:s12] =	ssyncset.done @!p0 $0x0;
	(pc) =	sbr.rel @p1 .LBB2_1-.Ltmp1, $4  }
0x47: {  	[sflag:s12] =	ssyncadd.s32 @!p0 $0xFFFFFF80  }
0x48: {  	[hbm4b:s17+s11] =	stream.linear.scatter @!p0 [tilespmem:s16], [sflag:$0x2], $0x80, $0x38;
	[tilespmem:$0x1E900] =	vst v63  }
0x49: {  	_ =	swait.ge @!p0 [sflag:s13], $0x80  }
0x4a: {  	[sflag:s13] =	ssyncset.done @!p0 $0x0  }
.LBB2_2:
0x4b: {  	[sflag:s13] =	ssyncadd.s32 @!p0 $0xFFFFFF80  }
0x4c: {  	_ =	sfence.sel $0x180000  }
0x4d: {  	[bflag:$0x0] =	sbarrier.arrive $0xFFFF  }
0x4e: {  	p0 =	sne.s32 s0, $0x0;
	_ =	strace $0x90000047  }
0x4f: {  	s0 =	sadd.s32 @!p0 $0x100000, s1;
	[bflag:$0x2] =	sbarrier.arrive $0xFFFF  }
0x50: {  	[sflag:s0] =	ssyncadd.tile.s32 @!p0 $0x1;
	_ =	shalt  }
.Lfunc_end2:
_tile_overlayer_lowered:
.L_overlay_start_2:
0x51: {  	(tag) =	ssettag $0x2  }
0x52: {  	s0 =	rddreg [dreg:$0x0];
	s2 =	stileid.u32  }
0x53: {  	s1 =	rddreg [dreg:$0x1];
	p0 =	sne.s32 s2, $0x0  }
0x54: {  	s3 =	rddreg [dreg:$0x2];
	[bflag:$0x3] =	sbarrier.arrive $0xFFFF;
	s2 =	simm.s32 @!p0 $0x1C03  }
0x55: {  	[timem:s3], [sflag:s2] =	dma.local @!p0 [hbm:s0], s1  }
0x56: {  	s0 =	simm.s32 @!p0 $0x3  }
0x57: {  	_ =	swait.ge @!p0 [sflag:s0], s1  }
0x58: {  	s1 =	ssub.s32 @!p0 $0x0, s1;
	[sflag:s0] =	ssyncset.done @!p0 $0x0  }
0x59: {  	[sflag:s0] =	ssyncadd.s32 @!p0 s1  }
0x5a: {  	[bflag:$0x3] =	sbarrier.arrive $0xFFFF  }
0x5b: {  	_ =	shalt  }

</sc_bundles>
